<compile_context>
chip_gen: v7x
topology: tpu7x:2x2x1
jax: 0.10.2.dev20260603
libtpu: 0.0.44.dev20260713+nightly
codegen_flags: <defaults>
</compile_context>

<pallas_src>
import functools

import jax
import jax.numpy as jnp
from jax import lax
from jax.experimental import pallas as pl
from jax.experimental.pallas import tpu as pltpu
from jax.experimental.pallas import tpu_sc as plsc

_NUM_CORES = 2
_NUM_SUBCORES = 16
_NUM_WORKERS = _NUM_CORES * _NUM_SUBCORES
_LANES = 16


@functools.lru_cache(maxsize=None)
def _build(B, V, D):
    assert B % (_NUM_WORKERS * _LANES) == 0 and V % 8 == 0
    b_per_w = B // _NUM_WORKERS
    n_chunks = b_per_w // _LANES
    mesh = plsc.VectorSubcoreMesh(core_axis_name="c", subcore_axis_name="s")

    @functools.partial(
        pl.kernel,
        mesh=mesh,
        out_type=jax.ShapeDtypeStruct((B, D), jnp.float32),
        scratch_types=[
            pltpu.VMEM((b_per_w,), jnp.int32),
            pltpu.VMEM((b_per_w, D), jnp.float32),
            pltpu.SemaphoreType.DMA,
        ],
    )
    def gather_kernel(msg_hbm, tbl_hbm, out_hbm, idx_v, rows_v, sem):
        wid = lax.axis_index("s") * _NUM_CORES + lax.axis_index("c")
        base = wid * b_per_w
        pltpu.sync_copy(msg_hbm.at[pl.ds(base, b_per_w)], idx_v)

        def fire_chunk(c, carry):
            idxvec = idx_v[pl.ds(c * _LANES, _LANES)]
            blkvec = lax.shift_right_logical(idxvec, 3)
            subvec = jnp.bitwise_and(idxvec, 7)
            for u in range(_LANES):
                pltpu.async_copy(
                    tbl_hbm.at[pl.ds(blkvec[u], 1), subvec[u], :],
                    rows_v.at[pl.ds(c * _LANES + u, 1), :],
                    sem,
                )
            return carry

        lax.fori_loop(0, n_chunks, fire_chunk, 0)

        def drain(k, carry):
            pltpu.make_async_copy(
                tbl_hbm.at[pl.ds(0, 1), 0, :],
                rows_v.at[pl.ds(0, 1), :],
                sem,
            ).wait()
            return carry

        lax.fori_loop(0, b_per_w, drain, 0)
        pltpu.sync_copy(rows_v, out_hbm.at[pl.ds(base, b_per_w)])

    return gather_kernel


def kernel(message, embedding_table):
    B, = message.shape
    V, D = embedding_table.shape
    tbl3 = embedding_table.reshape(V // 8, 8, D)
    return _build(B, V, D)(message.astype(jnp.int32), tbl3)

# --- scband reference (transcript-rebuilt; emitter-appended) ---
"""Pipeline reference for scband-symbol-receiver-wrapper-28561532518853 (READ-ONLY COPY).

The authoritative reference and input builder live on the scoring server;
editing this copy changes nothing except your own understanding.
"""

import jax, jax.numpy as jnp
import numpy as np

VOCAB = 1000000
EMBED_DIM = 64
BATCH = 16384

def setup_inputs(seed: int = 0) -> dict:
    key = jax.random.key(seed)
    k1, k2 = jax.random.split(key)
    message = jax.random.randint(k1, (BATCH,), 0, VOCAB)
    embedding_table = jax.random.normal(k2, (VOCAB, EMBED_DIM), dtype=jnp.float32) * 0.02
    return {"message": message, "embedding_table": embedding_table}

def reference(message, embedding_table):
    # RelaxedEmbedding with integer message behaves exactly like F.embedding:
    # a row gather from the table. The wrapped agent is assumed to be identity
    # (agent(embedded_message, None) -> embedded_message), since SymbolReceiverWrapper
    # is a pass-through wrapper whose own computation is the embedding lookup.
    embedded_message = jnp.take(embedding_table, message, axis=0)
    return embedded_message

if __name__ == "__main__":
    import jax
    _d = setup_inputs()
    print(jax.jit(kernel)(*tuple(_d.values())))

</pallas_src>

<mosaic_0001>
#map = affine_map<(d0, d1) -> (0)>
#map1 = affine_map<(d0, d1) -> (0, 0, 0)>
#map2 = affine_map<(d0, d1) -> (0, 0)>
module attributes {stable_mosaic.version = 14 : i64} {
  func.func @gather_kernel(%arg0: i32, %arg1: i32, %arg2: memref<16384xi32, #tpu.memory_space<hbm>>, %arg3: memref<125000x8x64xf32, #tpu.memory_space<hbm>>, %arg4: memref<16384x64xf32, #tpu.memory_space<hbm>>, %arg5: memref<512xi32, #tpu.memory_space<vmem>>, %arg6: memref<512x64xf32, #tpu.memory_space<vmem>>, %arg7: memref<!tpu.dma_semaphore, #tpu.memory_space<semaphore_mem>>) attributes {dimension_semantics = [#tpu.dimension_semantics<core_parallel>, #tpu.dimension_semantics<subcore_parallel>], iteration_bounds = array<i64: 2, 16>, scalar_prefetch = 0 : i64, scratch_operands = 3 : i64, tpu.core_type = #tpu.core_type<sc_vector_subcore>, window_params = [{transform_indices = #map}, {transform_indices = #map1}, {transform_indices = #map2}]} {
    %mul3A = arith.constant 2 : i32
    %mul3A_0 = arith.muli %arg1, %mul3A : i32
    %add3A = arith.addi %mul3A_0, %arg0 : i32
    %mul3A_1 = arith.constant 512 : i32
    %mul3A_2 = arith.muli %add3A, %mul3A_1 : i32
    "tpu.region"() ({
      %run_scoped3A = tpu.sem_alloc : memref<!tpu.dma_semaphore, #tpu.memory_space<semaphore_mem>>
      %dma_start3A = tpu.memref_slice %arg2[%mul3A_2] : memref<16384xi32, #tpu.memory_space<hbm>> -> memref<512xi32, #tpu.memory_space<hbm>>
      %dma_start3A_14 = tpu.memref_slice %arg2[%mul3A_2] : memref<16384xi32, #tpu.memory_space<hbm>> -> memref<512xi32, #tpu.memory_space<hbm>>
      tpu.enqueue_dma source(%dma_start3A_14 : memref<512xi32, #tpu.memory_space<hbm>>) target(%arg5 : memref<512xi32, #tpu.memory_space<vmem>>) target_semaphore(%run_scoped3A : memref<!tpu.dma_semaphore, #tpu.memory_space<semaphore_mem>>)
      %dma_wait3A = tpu.memref_slice %arg2[%mul3A_2] : memref<16384xi32, #tpu.memory_space<hbm>> -> memref<512xi32, #tpu.memory_space<hbm>>
      %dma_wait3A_15 = tpu.memref_slice %arg2[%mul3A_2] : memref<16384xi32, #tpu.memory_space<hbm>> -> memref<512xi32, #tpu.memory_space<hbm>>
      tpu.wait_dma2 semaphore(%run_scoped3A : memref<!tpu.dma_semaphore, #tpu.memory_space<semaphore_mem>>) src(%dma_wait3A_15 : memref<512xi32, #tpu.memory_space<hbm>>) dst(%arg5 : memref<512xi32, #tpu.memory_space<vmem>>)
      tpu.yield
    }) : () -> ()
    %scan3A = arith.constant 0 : i32
    %scan3A_3 = arith.constant 0 : i32
    %scan3A_4 = arith.constant 32 : i32
    %scan3A_5 = arith.addi %scan3A_3, %scan3A_4 : i32
    %scan3A_6 = arith.constant 1 : i32
    scf.for %scan3A_14 = %scan3A_3 to %scan3A_5 step %scan3A_6  : i32 {
      %mul3A_15 = arith.constant 16 : i32
      %mul3A_16 = arith.muli %scan3A_14, %mul3A_15 : i32
      %get3A = arith.index_cast %mul3A_16 : i32 to index
      %get3A_17 = tpu.vector_load %arg5[%get3A] {strides = array<i32>} : memref<512xi32, #tpu.memory_space<vmem>>, vector<16xi32>,
      %get3A_18 = vector.shape_cast %get3A_17 : vector<16xi32> to vector<16xi32>
      %shift_right_logical3A = arith.constant 3 : i32
      %shift_right_logical3A_19 = vector.broadcast %shift_right_logical3A : i32 to vector<16xi32>
      %shift_right_logical3A_20 = arith.shrui %get3A_18, %shift_right_logical3A_19 : vector<16xi32>
      %and3A = arith.constant 7 : i32
      %and3A_21 = vector.broadcast %and3A : i32 to vector<16xi32>
      %and3A_22 = arith.andi %get3A_18, %and3A_21 : vector<16xi32>
      %slice3A = vector.extract_strided_slice %shift_right_logical3A_20 {offsets = [0], sizes = [1], strides = [1]} : vector<16xi32> to vector<1xi32>
      %squeeze3A = vector.extract %slice3A[0] : i32 from vector<1xi32>
      %slice3A_23 = vector.extract_strided_slice %and3A_22 {offsets = [0], sizes = [1], strides = [1]} : vector<16xi32> to vector<1xi32>
      %squeeze3A_24 = vector.extract %slice3A_23[0] : i32 from vector<1xi32>
      %mul3A_25 = arith.constant 16 : i32
      %mul3A_26 = arith.muli %scan3A_14, %mul3A_25 : i32
      %add3A_27 = arith.constant 0 : i32
      %add3A_28 = arith.addi %mul3A_26, %add3A_27 : i32
      %dma_start3A = arith.constant 0 : i32
      %dma_start3A_29 = tpu.memref_slice %arg6[%add3A_28, %dma_start3A] : memref<512x64xf32, #tpu.memory_space<vmem>> -> memref<1x64xf32, #tpu.memory_space<vmem>>
      %dma_start3A_30 = arith.constant 0 : i32
      %dma_start3A_31 = tpu.memref_slice %arg3[%squeeze3A, %squeeze3A_24, %dma_start3A_30] : memref<125000x8x64xf32, #tpu.memory_space<hbm>> -> memref<1x1x64xf32, #tpu.memory_space<hbm>>
      %dma_start3A_32 = tpu.memref_squeeze %dma_start3A_31 : memref<1x1x64xf32, #tpu.memory_space<hbm>> -> memref<1x64xf32, #tpu.memory_space<hbm>>
      %dma_start3A_33 = arith.constant 0 : i32
      %dma_start3A_34 = tpu.memref_slice %arg6[%add3A_28, %dma_start3A_33] : memref<512x64xf32, #tpu.memory_space<vmem>> -> memref<1x64xf32, #tpu.memory_space<vmem>>
      %dma_start3A_35 = arith.constant 0 : i32
      %dma_start3A_36 = tpu.memref_slice %arg3[%squeeze3A, %squeeze3A_24, %dma_start3A_35] : memref<125000x8x64xf32, #tpu.memory_space<hbm>> -> memref<1x1x64xf32, #tpu.memory_space<hbm>>
      %dma_start3A_37 = tpu.memref_squeeze %dma_start3A_36 : memref<1x1x64xf32, #tpu.memory_space<hbm>> -> memref<1x64xf32, #tpu.memory_space<hbm>>
      tpu.enqueue_dma source(%dma_start3A_37 : memref<1x64xf32, #tpu.memory_space<hbm>>) target(%dma_start3A_34 : memref<1x64xf32, #tpu.memory_space<vmem>>) target_semaphore(%arg7 : memref<!tpu.dma_semaphore, #tpu.memory_space<semaphore_mem>>)
      %slice3A_38 = vector.extract_strided_slice %shift_right_logical3A_20 {offsets = [1], sizes = [1], strides = [1]} : vector<16xi32> to vector<1xi32>
      %squeeze3A_39 = vector.extract %slice3A_38[0] : i32 from vector<1xi32>
      %slice3A_40 = vector.extract_strided_slice %and3A_22 {offsets = [1], sizes = [1], strides = [1]} : vector<16xi32> to vector<1xi32>
      %squeeze3A_41 = vector.extract %slice3A_40[0] : i32 from vector<1xi32>
      %mul3A_42 = arith.constant 16 : i32
      %mul3A_43 = arith.muli %scan3A_14, %mul3A_42 : i32
      %add3A_44 = arith.constant 1 : i32
      %add3A_45 = arith.addi %mul3A_43, %add3A_44 : i32
      %dma_start3A_46 = arith.constant 0 : i32
      %dma_start3A_47 = tpu.memref_slice %arg6[%add3A_45, %dma_start3A_46] : memref<512x64xf32, #tpu.memory_space<vmem>> -> memref<1x64xf32, #tpu.memory_space<vmem>>
      %dma_start3A_48 = arith.constant 0 : i32
      %dma_start3A_49 = tpu.memref_slice %arg3[%squeeze3A_39, %squeeze3A_41, %dma_start3A_48] : memref<125000x8x64xf32, #tpu.memory_space<hbm>> -> memref<1x1x64xf32, #tpu.memory_space<hbm>>
      %dma_start3A_50 = tpu.memref_squeeze %dma_start3A_49 : memref<1x1x64xf32, #tpu.memory_space<hbm>> -> memref<1x64xf32, #tpu.memory_space<hbm>>
      %dma_start3A_51 = arith.constant 0 : i32
      %dma_start3A_52 = tpu.memref_slice %arg6[%add3A_45, %dma_start3A_51] : memref<512x64xf32, #tpu.memory_space<vmem>> -> memref<1x64xf32, #tpu.memory_space<vmem>>
      %dma_start3A_53 = arith.constant 0 : i32
      %dma_start3A_54 = tpu.memref_slice %arg3[%squeeze3A_39, %squeeze3A_41, %dma_start3A_53] : memref<125000x8x64xf32, #tpu.memory_space<hbm>> -> memref<1x1x64xf32, #tpu.memory_space<hbm>>
      %dma_start3A_55 = tpu.memref_squeeze %dma_start3A_54 : memref<1x1x64xf32, #tpu.memory_space<hbm>> -> memref<1x64xf32, #tpu.memory_space<hbm>>
      tpu.enqueue_dma source(%dma_start3A_55 : memref<1x64xf32, #tpu.memory_space<hbm>>) target(%dma_start3A_52 : memref<1x64xf32, #tpu.memory_space<vmem>>) target_semaphore(%arg7 : memref<!tpu.dma_semaphore, #tpu.memory_space<semaphore_mem>>)
      %slice3A_56 = vector.extract_strided_slice %shift_right_logical3A_20 {offsets = [2], sizes = [1], strides = [1]} : vector<16xi32> to vector<1xi32>
      %squeeze3A_57 = vector.extract %slice3A_56[0] : i32 from vector<1xi32>
      %slice3A_58 = vector.extract_strided_slice %and3A_22 {offsets = [2], sizes = [1], strides = [1]} : vector<16xi32> to vector<1xi32>
      %squeeze3A_59 = vector.extract %slice3A_58[0] : i32 from vector<1xi32>
      %mul3A_60 = arith.constant 16 : i32
      %mul3A_61 = arith.muli %scan3A_14, %mul3A_60 : i32
      %add3A_62 = arith.constant 2 : i32
      %add3A_63 = arith.addi %mul3A_61, %add3A_62 : i32
      %dma_start3A_64 = arith.constant 0 : i32
      %dma_start3A_65 = tpu.memref_slice %arg6[%add3A_63, %dma_start3A_64] : memref<512x64xf32, #tpu.memory_space<vmem>> -> memref<1x64xf32, #tpu.memory_space<vmem>>
      %dma_start3A_66 = arith.constant 0 : i32
      %dma_start3A_67 = tpu.memref_slice %arg3[%squeeze3A_57, %squeeze3A_59, %dma_start3A_66] : memref<125000x8x64xf32, #tpu.memory_space<hbm>> -> memref<1x1x64xf32, #tpu.memory_space<hbm>>
      %dma_start3A_68 = tpu.memref_squeeze %dma_start3A_67 : memref<1x1x64xf32, #tpu.memory_space<hbm>> -> memref<1x64xf32, #tpu.memory_space<hbm>>
      %dma_start3A_69 = arith.constant 0 : i32
      %dma_start3A_70 = tpu.memref_slice %arg6[%add3A_63, %dma_start3A_69] : memref<512x64xf32, #tpu.memory_space<vmem>> -> memref<1x64xf32, #tpu.memory_space<vmem>>
      %dma_start3A_71 = arith.constant 0 : i32
      %dma_start3A_72 = tpu.memref_slice %arg3[%squeeze3A_57, %squeeze3A_59, %dma_start3A_71] : memref<125000x8x64xf32, #tpu.memory_space<hbm>> -> memref<1x1x64xf32, #tpu.memory_space<hbm>>
      %dma_start3A_73 = tpu.memref_squeeze %dma_start3A_72 : memref<1x1x64xf32, #tpu.memory_space<hbm>> -> memref<1x64xf32, #tpu.memory_space<hbm>>
      tpu.enqueue_dma source(%dma_start3A_73 : memref<1x64xf32, #tpu.memory_space<hbm>>) target(%dma_start3A_70 : memref<1x64xf32, #tpu.memory_space<vmem>>) target_semaphore(%arg7 : memref<!tpu.dma_semaphore, #tpu.memory_space<semaphore_mem>>)
      %slice3A_74 = vector.extract_strided_slice %shift_right_logical3A_20 {offsets = [3], sizes = [1], strides = [1]} : vector<16xi32> to vector<1xi32>
      %squeeze3A_75 = vector.extract %slice3A_74[0] : i32 from vector<1xi32>
      %slice3A_76 = vector.extract_strided_slice %and3A_22 {offsets = [3], sizes = [1], strides = [1]} : vector<16xi32> to vector<1xi32>
      %squeeze3A_77 = vector.extract %slice3A_76[0] : i32 from vector<1xi32>
      %mul3A_78 = arith.constant 16 : i32
      %mul3A_79 = arith.muli %scan3A_14, %mul3A_78 : i32
      %add3A_80 = arith.constant 3 : i32
      %add3A_81 = arith.addi %mul3A_79, %add3A_80 : i32
      %dma_start3A_82 = arith.constant 0 : i32
      %dma_start3A_83 = tpu.memref_slice %arg6[%add3A_81, %dma_start3A_82] : memref<512x64xf32, #tpu.memory_space<vmem>> -> memref<1x64xf32, #tpu.memory_space<vmem>>
      %dma_start3A_84 = arith.constant 0 : i32
      %dma_start3A_85 = tpu.memref_slice %arg3[%squeeze3A_75, %squeeze3A_77, %dma_start3A_84] : memref<125000x8x64xf32, #tpu.memory_space<hbm>> -> memref<1x1x64xf32, #tpu.memory_space<hbm>>
      %dma_start3A_86 = tpu.memref_squeeze %dma_start3A_85 : memref<1x1x64xf32, #tpu.memory_space<hbm>> -> memref<1x64xf32, #tpu.memory_space<hbm>>
      %dma_start3A_87 = arith.constant 0 : i32
      %dma_start3A_88 = tpu.memref_slice %arg6[%add3A_81, %dma_start3A_87] : memref<512x64xf32, #tpu.memory_space<vmem>> -> memref<1x64xf32, #tpu.memory_space<vmem>>
      %dma_start3A_89 = arith.constant 0 : i32
      %dma_start3A_90 = tpu.memref_slice %arg3[%squeeze3A_75, %squeeze3A_77, %dma_start3A_89] : memref<125000x8x64xf32, #tpu.memory_space<hbm>> -> memref<1x1x64xf32, #tpu.memory_space<hbm>>
      %dma_start3A_91 = tpu.memref_squeeze %dma_start3A_90 : memref<1x1x64xf32, #tpu.memory_space<hbm>> -> memref<1x64xf32, #tpu.memory_space<hbm>>
      tpu.enqueue_dma source(%dma_start3A_91 : memref<1x64xf32, #tpu.memory_space<hbm>>) target(%dma_start3A_88 : memref<1x64xf32, #tpu.memory_space<vmem>>) target_semaphore(%arg7 : memref<!tpu.dma_semaphore, #tpu.memory_space<semaphore_mem>>)
      %slice3A_92 = vector.extract_strided_slice %shift_right_logical3A_20 {offsets = [4], sizes = [1], strides = [1]} : vector<16xi32> to vector<1xi32>
      %squeeze3A_93 = vector.extract %slice3A_92[0] : i32 from vector<1xi32>
      %slice3A_94 = vector.extract_strided_slice %and3A_22 {offsets = [4], sizes = [1], strides = [1]} : vector<16xi32> to vector<1xi32>
      %squeeze3A_95 = vector.extract %slice3A_94[0] : i32 from vector<1xi32>
      %mul3A_96 = arith.constant 16 : i32
      %mul3A_97 = arith.muli %scan3A_14, %mul3A_96 : i32
      %add3A_98 = arith.constant 4 : i32
      %add3A_99 = arith.addi %mul3A_97, %add3A_98 : i32
      %dma_start3A_100 = arith.constant 0 : i32
      %dma_start3A_101 = tpu.memref_slice %arg6[%add3A_99, %dma_start3A_100] : memref<512x64xf32, #tpu.memory_space<vmem>> -> memref<1x64xf32, #tpu.memory_space<vmem>>
      %dma_start3A_102 = arith.constant 0 : i32
      %dma_start3A_103 = tpu.memref_slice %arg3[%squeeze3A_93, %squeeze3A_95, %dma_start3A_102] : memref<125000x8x64xf32, #tpu.memory_space<hbm>> -> memref<1x1x64xf32, #tpu.memory_space<hbm>>
      %dma_start3A_104 = tpu.memref_squeeze %dma_start3A_103 : memref<1x1x64xf32, #tpu.memory_space<hbm>> -> memref<1x64xf32, #tpu.memory_space<hbm>>
      %dma_start3A_105 = arith.constant 0 : i32
      %dma_start3A_106 = tpu.memref_slice %arg6[%add3A_99, %dma_start3A_105] : memref<512x64xf32, #tpu.memory_space<vmem>> -> memref<1x64xf32, #tpu.memory_space<vmem>>
      %dma_start3A_107 = arith.constant 0 : i32
      %dma_start3A_108 = tpu.memref_slice %arg3[%squeeze3A_93, %squeeze3A_95, %dma_start3A_107] : memref<125000x8x64xf32, #tpu.memory_space<hbm>> -> memref<1x1x64xf32, #tpu.memory_space<hbm>>
      %dma_start3A_109 = tpu.memref_squeeze %dma_start3A_108 : memref<1x1x64xf32, #tpu.memory_space<hbm>> -> memref<1x64xf32, #tpu.memory_space<hbm>>
      tpu.enqueue_dma source(%dma_start3A_109 : memref<1x64xf32, #tpu.memory_space<hbm>>) target(%dma_start3A_106 : memref<1x64xf32, #tpu.memory_space<vmem>>) target_semaphore(%arg7 : memref<!tpu.dma_semaphore, #tpu.memory_space<semaphore_mem>>)
      %slice3A_110 = vector.extract_strided_slice %shift_right_logical3A_20 {offsets = [5], sizes = [1], strides = [1]} : vector<16xi32> to vector<1xi32>
      %squeeze3A_111 = vector.extract %slice3A_110[0] : i32 from vector<1xi32>
      %slice3A_112 = vector.extract_strided_slice %and3A_22 {offsets = [5], sizes = [1], strides = [1]} : vector<16xi32> to vector<1xi32>
      %squeeze3A_113 = vector.extract %slice3A_112[0] : i32 from vector<1xi32>
      %mul3A_114 = arith.constant 16 : i32
      %mul3A_115 = arith.muli %scan3A_14, %mul3A_114 : i32
      %add3A_116 = arith.constant 5 : i32
      %add3A_117 = arith.addi %mul3A_115, %add3A_116 : i32
      %dma_start3A_118 = arith.constant 0 : i32
      %dma_start3A_119 = tpu.memref_slice %arg6[%add3A_117, %dma_start3A_118] : memref<512x64xf32, #tpu.memory_space<vmem>> -> memref<1x64xf32, #tpu.memory_space<vmem>>
      %dma_start3A_120 = arith.constant 0 : i32
      %dma_start3A_121 = tpu.memref_slice %arg3[%squeeze3A_111, %squeeze3A_113, %dma_start3A_120] : memref<125000x8x64xf32, #tpu.memory_space<hbm>> -> memref<1x1x64xf32, #tpu.memory_space<hbm>>
      %dma_start3A_122 = tpu.memref_squeeze %dma_start3A_121 : memref<1x1x64xf32, #tpu.memory_space<hbm>> -> memref<1x64xf32, #tpu.memory_space<hbm>>
      %dma_start3A_123 = arith.constant 0 : i32
      %dma_start3A_124 = tpu.memref_slice %arg6[%add3A_117, %dma_start3A_123] : memref<512x64xf32, #tpu.memory_space<vmem>> -> memref<1x64xf32, #tpu.memory_space<vmem>>
      %dma_start3A_125 = arith.constant 0 : i32
      %dma_start3A_126 = tpu.memref_slice %arg3[%squeeze3A_111, %squeeze3A_113, %dma_start3A_125] : memref<125000x8x64xf32, #tpu.memory_space<hbm>> -> memref<1x1x64xf32, #tpu.memory_space<hbm>>
      %dma_start3A_127 = tpu.memref_squeeze %dma_start3A_126 : memref<1x1x64xf32, #tpu.memory_space<hbm>> -> memref<1x64xf32, #tpu.memory_space<hbm>>
      tpu.enqueue_dma source(%dma_start3A_127 : memref<1x64xf32, #tpu.memory_space<hbm>>) target(%dma_start3A_124 : memref<1x64xf32, #tpu.memory_space<vmem>>) target_semaphore(%arg7 : memref<!tpu.dma_semaphore, #tpu.memory_space<semaphore_mem>>)
      %slice3A_128 = vector.extract_strided_slice %shift_right_logical3A_20 {offsets = [6], sizes = [1], strides = [1]} : vector<16xi32> to vector<1xi32>
      %squeeze3A_129 = vector.extract %slice3A_128[0] : i32 from vector<1xi32>
      %slice3A_130 = vector.extract_strided_slice %and3A_22 {offsets = [6], sizes = [1], strides = [1]} : vector<16xi32> to vector<1xi32>
      %squeeze3A_131 = vector.extract %slice3A_130[0] : i32 from vector<1xi32>
      %mul3A_132 = arith.constant 16 : i32
      %mul3A_133 = arith.muli %scan3A_14, %mul3A_132 : i32
      %add3A_134 = arith.constant 6 : i32
      %add3A_135 = arith.addi %mul3A_133, %add3A_134 : i32
      %dma_start3A_136 = arith.constant 0 : i32
      %dma_start3A_137 = tpu.memref_slice %arg6[%add3A_135, %dma_start3A_136] : memref<512x64xf32, #tpu.memory_space<vmem>> -> memref<1x64xf32, #tpu.memory_space<vmem>>
      %dma_start3A_138 = arith.constant 0 : i32
      %dma_start3A_139 = tpu.memref_slice %arg3[%squeeze3A_129, %squeeze3A_131, %dma_start3A_138] : memref<125000x8x64xf32, #tpu.memory_space<hbm>> -> memref<1x1x64xf32, #tpu.memory_space<hbm>>
      %dma_start3A_140 = tpu.memref_squeeze %dma_start3A_139 : memref<1x1x64xf32, #tpu.memory_space<hbm>> -> memref<1x64xf32, #tpu.memory_space<hbm>>
      %dma_start3A_141 = arith.constant 0 : i32
      %dma_start3A_142 = tpu.memref_slice %arg6[%add3A_135, %dma_start3A_141] : memref<512x64xf32, #tpu.memory_space<vmem>> -> memref<1x64xf32, #tpu.memory_space<vmem>>
      %dma_start3A_143 = arith.constant 0 : i32
      %dma_start3A_144 = tpu.memref_slice %arg3[%squeeze3A_129, %squeeze3A_131, %dma_start3A_143] : memref<125000x8x64xf32, #tpu.memory_space<hbm>> -> memref<1x1x64xf32, #tpu.memory_space<hbm>>
      %dma_start3A_145 = tpu.memref_squeeze %dma_start3A_144 : memref<1x1x64xf32, #tpu.memory_space<hbm>> -> memref<1x64xf32, #tpu.memory_space<hbm>>
      tpu.enqueue_dma source(%dma_start3A_145 : memref<1x64xf32, #tpu.memory_space<hbm>>) target(%dma_start3A_142 : memref<1x64xf32, #tpu.memory_space<vmem>>) target_semaphore(%arg7 : memref<!tpu.dma_semaphore, #tpu.memory_space<semaphore_mem>>)
      %slice3A_146 = vector.extract_strided_slice %shift_right_logical3A_20 {offsets = [7], sizes = [1], strides = [1]} : vector<16xi32> to vector<1xi32>
      %squeeze3A_147 = vector.extract %slice3A_146[0] : i32 from vector<1xi32>
      %slice3A_148 = vector.extract_strided_slice %and3A_22 {offsets = [7], sizes = [1], strides = [1]} : vector<16xi32> to vector<1xi32>
      %squeeze3A_149 = vector.extract %slice3A_148[0] : i32 from vector<1xi32>
      %mul3A_150 = arith.constant 16 : i32
      %mul3A_151 = arith.muli %scan3A_14, %mul3A_150 : i32
      %add3A_152 = arith.constant 7 : i32
      %add3A_153 = arith.addi %mul3A_151, %add3A_152 : i32
      %dma_start3A_154 = arith.constant 0 : i32
      %dma_start3A_155 = tpu.memref_slice %arg6[%add3A_153, %dma_start3A_154] : memref<512x64xf32, #tpu.memory_space<vmem>> -> memref<1x64xf32, #tpu.memory_space<vmem>>
      %dma_start3A_156 = arith.constant 0 : i32
      %dma_start3A_157 = tpu.memref_slice %arg3[%squeeze3A_147, %squeeze3A_149, %dma_start3A_156] : memref<125000x8x64xf32, #tpu.memory_space<hbm>> -> memref<1x1x64xf32, #tpu.memory_space<hbm>>
      %dma_start3A_158 = tpu.memref_squeeze %dma_start3A_157 : memref<1x1x64xf32, #tpu.memory_space<hbm>> -> memref<1x64xf32, #tpu.memory_space<hbm>>
      %dma_start3A_159 = arith.constant 0 : i32
      %dma_start3A_160 = tpu.memref_slice %arg6[%add3A_153, %dma_start3A_159] : memref<512x64xf32, #tpu.memory_space<vmem>> -> memref<1x64xf32, #tpu.memory_space<vmem>>
      %dma_start3A_161 = arith.constant 0 : i32
      %dma_start3A_162 = tpu.memref_slice %arg3[%squeeze3A_147, %squeeze3A_149, %dma_start3A_161] : memref<125000x8x64xf32, #tpu.memory_space<hbm>> -> memref<1x1x64xf32, #tpu.memory_space<hbm>>
      %dma_start3A_163 = tpu.memref_squeeze %dma_start3A_162 : memref<1x1x64xf32, #tpu.memory_space<hbm>> -> memref<1x64xf32, #tpu.memory_space<hbm>>
      tpu.enqueue_dma source(%dma_start3A_163 : memref<1x64xf32, #tpu.memory_space<hbm>>) target(%dma_start3A_160 : memref<1x64xf32, #tpu.memory_space<vmem>>) target_semaphore(%arg7 : memref<!tpu.dma_semaphore, #tpu.memory_space<semaphore_mem>>)
      %slice3A_164 = vector.extract_strided_slice %shift_right_logical3A_20 {offsets = [8], sizes = [1], strides = [1]} : vector<16xi32> to vector<1xi32>
      %squeeze3A_165 = vector.extract %slice3A_164[0] : i32 from vector<1xi32>
      %slice3A_166 = vector.extract_strided_slice %and3A_22 {offsets = [8], sizes = [1], strides = [1]} : vector<16xi32> to vector<1xi32>
      %squeeze3A_167 = vector.extract %slice3A_166[0] : i32 from vector<1xi32>
      %mul3A_168 = arith.constant 16 : i32
      %mul3A_169 = arith.muli %scan3A_14, %mul3A_168 : i32
      %add3A_170 = arith.constant 8 : i32
      %add3A_171 = arith.addi %mul3A_169, %add3A_170 : i32
      %dma_start3A_172 = arith.constant 0 : i32
      %dma_start3A_173 = tpu.memref_slice %arg6[%add3A_171, %dma_start3A_172] : memref<512x64xf32, #tpu.memory_space<vmem>> -> memref<1x64xf32, #tpu.memory_space<vmem>>
      %dma_start3A_174 = arith.constant 0 : i32
      %dma_start3A_175 = tpu.memref_slice %arg3[%squeeze3A_165, %squeeze3A_167, %dma_start3A_174] : memref<125000x8x64xf32, #tpu.memory_space<hbm>> -> memref<1x1x64xf32, #tpu.memory_space<hbm>>
      %dma_start3A_176 = tpu.memref_squeeze %dma_start3A_175 : memref<1x1x64xf32, #tpu.memory_space<hbm>> -> memref<1x64xf32, #tpu.memory_space<hbm>>
      %dma_start3A_177 = arith.constant 0 : i32
      %dma_start3A_178 = tpu.memref_slice %arg6[%add3A_171, %dma_start3A_177] : memref<512x64xf32, #tpu.memory_space<vmem>> -> memref<1x64xf32, #tpu.memory_space<vmem>>
      %dma_start3A_179 = arith.constant 0 : i32
      %dma_start3A_180 = tpu.memref_slice %arg3[%squeeze3A_165, %squeeze3A_167, %dma_start3A_179] : memref<125000x8x64xf32, #tpu.memory_space<hbm>> -> memref<1x1x64xf32, #tpu.memory_space<hbm>>
      %dma_start3A_181 = tpu.memref_squeeze %dma_start3A_180 : memref<1x1x64xf32, #tpu.memory_space<hbm>> -> memref<1x64xf32, #tpu.memory_space<hbm>>
      tpu.enqueue_dma source(%dma_start3A_181 : memref<1x64xf32, #tpu.memory_space<hbm>>) target(%dma_start3A_178 : memref<1x64xf32, #tpu.memory_space<vmem>>) target_semaphore(%arg7 : memref<!tpu.dma_semaphore, #tpu.memory_space<semaphore_mem>>)
      %slice3A_182 = vector.extract_strided_slice %shift_right_logical3A_20 {offsets = [9], sizes = [1], strides = [1]} : vector<16xi32> to vector<1xi32>
      %squeeze3A_183 = vector.extract %slice3A_182[0] : i32 from vector<1xi32>
      %slice3A_184 = vector.extract_strided_slice %and3A_22 {offsets = [9], sizes = [1], strides = [1]} : vector<16xi32> to vector<1xi32>
      %squeeze3A_185 = vector.extract %slice3A_184[0] : i32 from vector<1xi32>
      %mul3A_186 = arith.constant 16 : i32
      %mul3A_187 = arith.muli %scan3A_14, %mul3A_186 : i32
      %add3A_188 = arith.constant 9 : i32
      %add3A_189 = arith.addi %mul3A_187, %add3A_188 : i32
      %dma_start3A_190 = arith.constant 0 : i32
      %dma_start3A_191 = tpu.memref_slice %arg6[%add3A_189, %dma_start3A_190] : memref<512x64xf32, #tpu.memory_space<vmem>> -> memref<1x64xf32, #tpu.memory_space<vmem>>
      %dma_start3A_192 = arith.constant 0 : i32
      %dma_start3A_193 = tpu.memref_slice %arg3[%squeeze3A_183, %squeeze3A_185, %dma_start3A_192] : memref<125000x8x64xf32, #tpu.memory_space<hbm>> -> memref<1x1x64xf32, #tpu.memory_space<hbm>>
      %dma_start3A_194 = tpu.memref_squeeze %dma_start3A_193 : memref<1x1x64xf32, #tpu.memory_space<hbm>> -> memref<1x64xf32, #tpu.memory_space<hbm>>
      %dma_start3A_195 = arith.constant 0 : i32
      %dma_start3A_196 = tpu.memref_slice %arg6[%add3A_189, %dma_start3A_195] : memref<512x64xf32, #tpu.memory_space<vmem>> -> memref<1x64xf32, #tpu.memory_space<vmem>>
      %dma_start3A_197 = arith.constant 0 : i32
      %dma_start3A_198 = tpu.memref_slice %arg3[%squeeze3A_183, %squeeze3A_185, %dma_start3A_197] : memref<125000x8x64xf32, #tpu.memory_space<hbm>> -> memref<1x1x64xf32, #tpu.memory_space<hbm>>
      %dma_start3A_199 = tpu.memref_squeeze %dma_start3A_198 : memref<1x1x64xf32, #tpu.memory_space<hbm>> -> memref<1x64xf32, #tpu.memory_space<hbm>>
      tpu.enqueue_dma source(%dma_start3A_199 : memref<1x64xf32, #tpu.memory_space<hbm>>) target(%dma_start3A_196 : memref<1x64xf32, #tpu.memory_space<vmem>>) target_semaphore(%arg7 : memref<!tpu.dma_semaphore, #tpu.memory_space<semaphore_mem>>)
      %slice3A_200 = vector.extract_strided_slice %shift_right_logical3A_20 {offsets = [10], sizes = [1], strides = [1]} : vector<16xi32> to vector<1xi32>
      %squeeze3A_201 = vector.extract %slice3A_200[0] : i32 from vector<1xi32>
      %slice3A_202 = vector.extract_strided_slice %and3A_22 {offsets = [10], sizes = [1], strides = [1]} : vector<16xi32> to vector<1xi32>
      %squeeze3A_203 = vector.extract %slice3A_202[0] : i32 from vector<1xi32>
      %mul3A_204 = arith.constant 16 : i32
      %mul3A_205 = arith.muli %scan3A_14, %mul3A_204 : i32
      %add3A_206 = arith.constant 10 : i32
      %add3A_207 = arith.addi %mul3A_205, %add3A_206 : i32
      %dma_start3A_208 = arith.constant 0 : i32
      %dma_start3A_209 = tpu.memref_slice %arg6[%add3A_207, %dma_start3A_208] : memref<512x64xf32, #tpu.memory_space<vmem>> -> memref<1x64xf32, #tpu.memory_space<vmem>>
      %dma_start3A_210 = arith.constant 0 : i32
      %dma_start3A_211 = tpu.memref_slice %arg3[%squeeze3A_201, %squeeze3A_203, %dma_start3A_210] : memref<125000x8x64xf32, #tpu.memory_space<hbm>> -> memref<1x1x64xf32, #tpu.memory_space<hbm>>
      %dma_start3A_212 = tpu.memref_squeeze %dma_start3A_211 : memref<1x1x64xf32, #tpu.memory_space<hbm>> -> memref<1x64xf32, #tpu.memory_space<hbm>>
      %dma_start3A_213 = arith.constant 0 : i32
      %dma_start3A_214 = tpu.memref_slice %arg6[%add3A_207, %dma_start3A_213] : memref<512x64xf32, #tpu.memory_space<vmem>> -> memref<1x64xf32, #tpu.memory_space<vmem>>
      %dma_start3A_215 = arith.constant 0 : i32
      %dma_start3A_216 = tpu.memref_slice %arg3[%squeeze3A_201, %squeeze3A_203, %dma_start3A_215] : memref<125000x8x64xf32, #tpu.memory_space<hbm>> -> memref<1x1x64xf32, #tpu.memory_space<hbm>>
      %dma_start3A_217 = tpu.memref_squeeze %dma_start3A_216 : memref<1x1x64xf32, #tpu.memory_space<hbm>> -> memref<1x64xf32, #tpu.memory_space<hbm>>
      tpu.enqueue_dma source(%dma_start3A_217 : memref<1x64xf32, #tpu.memory_space<hbm>>) target(%dma_start3A_214 : memref<1x64xf32, #tpu.memory_space<vmem>>) target_semaphore(%arg7 : memref<!tpu.dma_semaphore, #tpu.memory_space<semaphore_mem>>)
      %slice3A_218 = vector.extract_strided_slice %shift_right_logical3A_20 {offsets = [11], sizes = [1], strides = [1]} : vector<16xi32> to vector<1xi32>
      %squeeze3A_219 = vector.extract %slice3A_218[0] : i32 from vector<1xi32>
      %slice3A_220 = vector.extract_strided_slice %and3A_22 {offsets = [11], sizes = [1], strides = [1]} : vector<16xi32> to vector<1xi32>
      %squeeze3A_221 = vector.extract %slice3A_220[0] : i32 from vector<1xi32>
      %mul3A_222 = arith.constant 16 : i32
      %mul3A_223 = arith.muli %scan3A_14, %mul3A_222 : i32
      %add3A_224 = arith.constant 11 : i32
      %add3A_225 = arith.addi %mul3A_223, %add3A_224 : i32
      %dma_start3A_226 = arith.constant 0 : i32
      %dma_start3A_227 = tpu.memref_slice %arg6[%add3A_225, %dma_start3A_226] : memref<512x64xf32, #tpu.memory_space<vmem>> -> memref<1x64xf32, #tpu.memory_space<vmem>>
      %dma_start3A_228 = arith.constant 0 : i32
      %dma_start3A_229 = tpu.memref_slice %arg3[%squeeze3A_219, %squeeze3A_221, %dma_start3A_228] : memref<125000x8x64xf32, #tpu.memory_space<hbm>> -> memref<1x1x64xf32, #tpu.memory_space<hbm>>
      %dma_start3A_230 = tpu.memref_squeeze %dma_start3A_229 : memref<1x1x64xf32, #tpu.memory_space<hbm>> -> memref<1x64xf32, #tpu.memory_space<hbm>>
      %dma_start3A_231 = arith.constant 0 : i32
      %dma_start3A_232 = tpu.memref_slice %arg6[%add3A_225, %dma_start3A_231] : memref<512x64xf32, #tpu.memory_space<vmem>> -> memref<1x64xf32, #tpu.memory_space<vmem>>
      %dma_start3A_233 = arith.constant 0 : i32
      %dma_start3A_234 = tpu.memref_slice %arg3[%squeeze3A_219, %squeeze3A_221, %dma_start3A_233] : memref<125000x8x64xf32, #tpu.memory_space<hbm>> -> memref<1x1x64xf32, #tpu.memory_space<hbm>>
      %dma_start3A_235 = tpu.memref_squeeze %dma_start3A_234 : memref<1x1x64xf32, #tpu.memory_space<hbm>> -> memref<1x64xf32, #tpu.memory_space<hbm>>
      tpu.enqueue_dma source(%dma_start3A_235 : memref<1x64xf32, #tpu.memory_space<hbm>>) target(%dma_start3A_232 : memref<1x64xf32, #tpu.memory_space<vmem>>) target_semaphore(%arg7 : memref<!tpu.dma_semaphore, #tpu.memory_space<semaphore_mem>>)
      %slice3A_236 = vector.extract_strided_slice %shift_right_logical3A_20 {offsets = [12], sizes = [1], strides = [1]} : vector<16xi32> to vector<1xi32>
      %squeeze3A_237 = vector.extract %slice3A_236[0] : i32 from vector<1xi32>
      %slice3A_238 = vector.extract_strided_slice %and3A_22 {offsets = [12], sizes = [1], strides = [1]} : vector<16xi32> to vector<1xi32>
      %squeeze3A_239 = vector.extract %slice3A_238[0] : i32 from vector<1xi32>
      %mul3A_240 = arith.constant 16 : i32
      %mul3A_241 = arith.muli %scan3A_14, %mul3A_240 : i32
      %add3A_242 = arith.constant 12 : i32
      %add3A_243 = arith.addi %mul3A_241, %add3A_242 : i32
      %dma_start3A_244 = arith.constant 0 : i32
      %dma_start3A_245 = tpu.memref_slice %arg6[%add3A_243, %dma_start3A_244] : memref<512x64xf32, #tpu.memory_space<vmem>> -> memref<1x64xf32, #tpu.memory_space<vmem>>
      %dma_start3A_246 = arith.constant 0 : i32
      %dma_start3A_247 = tpu.memref_slice %arg3[%squeeze3A_237, %squeeze3A_239, %dma_start3A_246] : memref<125000x8x64xf32, #tpu.memory_space<hbm>> -> memref<1x1x64xf32, #tpu.memory_space<hbm>>
      %dma_start3A_248 = tpu.memref_squeeze %dma_start3A_247 : memref<1x1x64xf32, #tpu.memory_space<hbm>> -> memref<1x64xf32, #tpu.memory_space<hbm>>
      %dma_start3A_249 = arith.constant 0 : i32
      %dma_start3A_250 = tpu.memref_slice %arg6[%add3A_243, %dma_start3A_249] : memref<512x64xf32, #tpu.memory_space<vmem>> -> memref<1x64xf32, #tpu.memory_space<vmem>>
      %dma_start3A_251 = arith.constant 0 : i32
      %dma_start3A_252 = tpu.memref_slice %arg3[%squeeze3A_237, %squeeze3A_239, %dma_start3A_251] : memref<125000x8x64xf32, #tpu.memory_space<hbm>> -> memref<1x1x64xf32, #tpu.memory_space<hbm>>
      %dma_start3A_253 = tpu.memref_squeeze %dma_start3A_252 : memref<1x1x64xf32, #tpu.memory_space<hbm>> -> memref<1x64xf32, #tpu.memory_space<hbm>>
      tpu.enqueue_dma source(%dma_start3A_253 : memref<1x64xf32, #tpu.memory_space<hbm>>) target(%dma_start3A_250 : memref<1x64xf32, #tpu.memory_space<vmem>>) target_semaphore(%arg7 : memref<!tpu.dma_semaphore, #tpu.memory_space<semaphore_mem>>)
      %slice3A_254 = vector.extract_strided_slice %shift_right_logical3A_20 {offsets = [13], sizes = [1], strides = [1]} : vector<16xi32> to vector<1xi32>
      %squeeze3A_255 = vector.extract %slice3A_254[0] : i32 from vector<1xi32>
      %slice3A_256 = vector.extract_strided_slice %and3A_22 {offsets = [13], sizes = [1], strides = [1]} : vector<16xi32> to vector<1xi32>
      %squeeze3A_257 = vector.extract %slice3A_256[0] : i32 from vector<1xi32>
      %mul3A_258 = arith.constant 16 : i32
      %mul3A_259 = arith.muli %scan3A_14, %mul3A_258 : i32
      %add3A_260 = arith.constant 13 : i32
      %add3A_261 = arith.addi %mul3A_259, %add3A_260 : i32
      %dma_start3A_262 = arith.constant 0 : i32
      %dma_start3A_263 = tpu.memref_slice %arg6[%add3A_261, %dma_start3A_262] : memref<512x64xf32, #tpu.memory_space<vmem>> -> memref<1x64xf32, #tpu.memory_space<vmem>>
      %dma_start3A_264 = arith.constant 0 : i32
      %dma_start3A_265 = tpu.memref_slice %arg3[%squeeze3A_255, %squeeze3A_257, %dma_start3A_264] : memref<125000x8x64xf32, #tpu.memory_space<hbm>> -> memref<1x1x64xf32, #tpu.memory_space<hbm>>
      %dma_start3A_266 = tpu.memref_squeeze %dma_start3A_265 : memref<1x1x64xf32, #tpu.memory_space<hbm>> -> memref<1x64xf32, #tpu.memory_space<hbm>>
      %dma_start3A_267 = arith.constant 0 : i32
      %dma_start3A_268 = tpu.memref_slice %arg6[%add3A_261, %dma_start3A_267] : memref<512x64xf32, #tpu.memory_space<vmem>> -> memref<1x64xf32, #tpu.memory_space<vmem>>
      %dma_start3A_269 = arith.constant 0 : i32
      %dma_start3A_270 = tpu.memref_slice %arg3[%squeeze3A_255, %squeeze3A_257, %dma_start3A_269] : memref<125000x8x64xf32, #tpu.memory_space<hbm>> -> memref<1x1x64xf32, #tpu.memory_space<hbm>>
      %dma_start3A_271 = tpu.memref_squeeze %dma_start3A_270 : memref<1x1x64xf32, #tpu.memory_space<hbm>> -> memref<1x64xf32, #tpu.memory_space<hbm>>
      tpu.enqueue_dma source(%dma_start3A_271 : memref<1x64xf32, #tpu.memory_space<hbm>>) target(%dma_start3A_268 : memref<1x64xf32, #tpu.memory_space<vmem>>) target_semaphore(%arg7 : memref<!tpu.dma_semaphore, #tpu.memory_space<semaphore_mem>>)
      %slice3A_272 = vector.extract_strided_slice %shift_right_logical3A_20 {offsets = [14], sizes = [1], strides = [1]} : vector<16xi32> to vector<1xi32>
      %squeeze3A_273 = vector.extract %slice3A_272[0] : i32 from vector<1xi32>
      %slice3A_274 = vector.extract_strided_slice %and3A_22 {offsets = [14], sizes = [1], strides = [1]} : vector<16xi32> to vector<1xi32>
      %squeeze3A_275 = vector.extract %slice3A_274[0] : i32 from vector<1xi32>
      %mul3A_276 = arith.constant 16 : i32
      %mul3A_277 = arith.muli %scan3A_14, %mul3A_276 : i32
      %add3A_278 = arith.constant 14 : i32
      %add3A_279 = arith.addi %mul3A_277, %add3A_278 : i32
      %dma_start3A_280 = arith.constant 0 : i32
      %dma_start3A_281 = tpu.memref_slice %arg6[%add3A_279, %dma_start3A_280] : memref<512x64xf32, #tpu.memory_space<vmem>> -> memref<1x64xf32, #tpu.memory_space<vmem>>
      %dma_start3A_282 = arith.constant 0 : i32
      %dma_start3A_283 = tpu.memref_slice %arg3[%squeeze3A_273, %squeeze3A_275, %dma_start3A_282] : memref<125000x8x64xf32, #tpu.memory_space<hbm>> -> memref<1x1x64xf32, #tpu.memory_space<hbm>>
      %dma_start3A_284 = tpu.memref_squeeze %dma_start3A_283 : memref<1x1x64xf32, #tpu.memory_space<hbm>> -> memref<1x64xf32, #tpu.memory_space<hbm>>
      %dma_start3A_285 = arith.constant 0 : i32
      %dma_start3A_286 = tpu.memref_slice %arg6[%add3A_279, %dma_start3A_285] : memref<512x64xf32, #tpu.memory_space<vmem>> -> memref<1x64xf32, #tpu.memory_space<vmem>>
      %dma_start3A_287 = arith.constant 0 : i32
      %dma_start3A_288 = tpu.memref_slice %arg3[%squeeze3A_273, %squeeze3A_275, %dma_start3A_287] : memref<125000x8x64xf32, #tpu.memory_space<hbm>> -> memref<1x1x64xf32, #tpu.memory_space<hbm>>
      %dma_start3A_289 = tpu.memref_squeeze %dma_start3A_288 : memref<1x1x64xf32, #tpu.memory_space<hbm>> -> memref<1x64xf32, #tpu.memory_space<hbm>>
      tpu.enqueue_dma source(%dma_start3A_289 : memref<1x64xf32, #tpu.memory_space<hbm>>) target(%dma_start3A_286 : memref<1x64xf32, #tpu.memory_space<vmem>>) target_semaphore(%arg7 : memref<!tpu.dma_semaphore, #tpu.memory_space<semaphore_mem>>)
      %slice3A_290 = vector.extract_strided_slice %shift_right_logical3A_20 {offsets = [15], sizes = [1], strides = [1]} : vector<16xi32> to vector<1xi32>
      %squeeze3A_291 = vector.extract %slice3A_290[0] : i32 from vector<1xi32>
      %slice3A_292 = vector.extract_strided_slice %and3A_22 {offsets = [15], sizes = [1], strides = [1]} : vector<16xi32> to vector<1xi32>
      %squeeze3A_293 = vector.extract %slice3A_292[0] : i32 from vector<1xi32>
      %mul3A_294 = arith.constant 16 : i32
      %mul3A_295 = arith.muli %scan3A_14, %mul3A_294 : i32
      %add3A_296 = arith.constant 15 : i32
      %add3A_297 = arith.addi %mul3A_295, %add3A_296 : i32
      %dma_start3A_298 = arith.constant 0 : i32
      %dma_start3A_299 = tpu.memref_slice %arg6[%add3A_297, %dma_start3A_298] : memref<512x64xf32, #tpu.memory_space<vmem>> -> memref<1x64xf32, #tpu.memory_space<vmem>>
      %dma_start3A_300 = arith.constant 0 : i32
      %dma_start3A_301 = tpu.memref_slice %arg3[%squeeze3A_291, %squeeze3A_293, %dma_start3A_300] : memref<125000x8x64xf32, #tpu.memory_space<hbm>> -> memref<1x1x64xf32, #tpu.memory_space<hbm>>
      %dma_start3A_302 = tpu.memref_squeeze %dma_start3A_301 : memref<1x1x64xf32, #tpu.memory_space<hbm>> -> memref<1x64xf32, #tpu.memory_space<hbm>>
      %dma_start3A_303 = arith.constant 0 : i32
      %dma_start3A_304 = tpu.memref_slice %arg6[%add3A_297, %dma_start3A_303] : memref<512x64xf32, #tpu.memory_space<vmem>> -> memref<1x64xf32, #tpu.memory_space<vmem>>
      %dma_start3A_305 = arith.constant 0 : i32
      %dma_start3A_306 = tpu.memref_slice %arg3[%squeeze3A_291, %squeeze3A_293, %dma_start3A_305] : memref<125000x8x64xf32, #tpu.memory_space<hbm>> -> memref<1x1x64xf32, #tpu.memory_space<hbm>>
      %dma_start3A_307 = tpu.memref_squeeze %dma_start3A_306 : memref<1x1x64xf32, #tpu.memory_space<hbm>> -> memref<1x64xf32, #tpu.memory_space<hbm>>
      tpu.enqueue_dma source(%dma_start3A_307 : memref<1x64xf32, #tpu.memory_space<hbm>>) target(%dma_start3A_304 : memref<1x64xf32, #tpu.memory_space<vmem>>) target_semaphore(%arg7 : memref<!tpu.dma_semaphore, #tpu.memory_space<semaphore_mem>>)
    }
    %scan3A_7 = arith.constant 32 : i32
    %scan3A_8 = arith.constant 0 : i32
    %scan3A_9 = arith.constant 0 : i32
    %scan3A_10 = arith.constant 512 : i32
    %scan3A_11 = arith.addi %scan3A_9, %scan3A_10 : i32
    %scan3A_12 = arith.constant 1 : i32
    scf.for %scan3A_14 = %scan3A_9 to %scan3A_11 step %scan3A_12  : i32 {
      %dma_wait3A = arith.constant 0 : i32
      %dma_wait3A_15 = arith.constant 0 : i32
      %dma_wait3A_16 = arith.constant 0 : i32
      %dma_wait3A_17 = tpu.memref_slice %arg6[%dma_wait3A_15, %dma_wait3A_16] : memref<512x64xf32, #tpu.memory_space<vmem>> -> memref<1x64xf32, #tpu.memory_space<vmem>>
      %dma_wait3A_18 = arith.constant 0 : i32
      %dma_wait3A_19 = arith.constant 0 : i32
      %dma_wait3A_20 = tpu.memref_slice %arg3[%dma_wait3A_18, %dma_wait3A, %dma_wait3A_19] : memref<125000x8x64xf32, #tpu.memory_space<hbm>> -> memref<1x1x64xf32, #tpu.memory_space<hbm>>
      %dma_wait3A_21 = tpu.memref_squeeze %dma_wait3A_20 : memref<1x1x64xf32, #tpu.memory_space<hbm>> -> memref<1x64xf32, #tpu.memory_space<hbm>>
      %dma_wait3A_22 = arith.constant 0 : i32
      %dma_wait3A_23 = arith.constant 0 : i32
      %dma_wait3A_24 = tpu.memref_slice %arg6[%dma_wait3A_22, %dma_wait3A_23] : memref<512x64xf32, #tpu.memory_space<vmem>> -> memref<1x64xf32, #tpu.memory_space<vmem>>
      %dma_wait3A_25 = arith.constant 0 : i32
      %dma_wait3A_26 = arith.constant 0 : i32
      %dma_wait3A_27 = tpu.memref_slice %arg3[%dma_wait3A_25, %dma_wait3A, %dma_wait3A_26] : memref<125000x8x64xf32, #tpu.memory_space<hbm>> -> memref<1x1x64xf32, #tpu.memory_space<hbm>>
      %dma_wait3A_28 = tpu.memref_squeeze %dma_wait3A_27 : memref<1x1x64xf32, #tpu.memory_space<hbm>> -> memref<1x64xf32, #tpu.memory_space<hbm>>
      tpu.wait_dma2 semaphore(%arg7 : memref<!tpu.dma_semaphore, #tpu.memory_space<semaphore_mem>>) src(%dma_wait3A_28 : memref<1x64xf32, #tpu.memory_space<hbm>>) dst(%dma_wait3A_24 : memref<1x64xf32, #tpu.memory_space<vmem>>)
    }
    %scan3A_13 = arith.constant 512 : i32
    "tpu.region"() ({
      %run_scoped3A = tpu.sem_alloc : memref<!tpu.dma_semaphore, #tpu.memory_space<semaphore_mem>>
      %dma_start3A = arith.constant 0 : i32
      %dma_start3A_14 = tpu.memref_slice %arg4[%mul3A_2, %dma_start3A] : memref<16384x64xf32, #tpu.memory_space<hbm>> -> memref<512x64xf32, #tpu.memory_space<hbm>>
      %dma_start3A_15 = arith.constant 0 : i32
      %dma_start3A_16 = tpu.memref_slice %arg4[%mul3A_2, %dma_start3A_15] : memref<16384x64xf32, #tpu.memory_space<hbm>> -> memref<512x64xf32, #tpu.memory_space<hbm>>
      tpu.enqueue_dma source(%arg6 : memref<512x64xf32, #tpu.memory_space<vmem>>) target(%dma_start3A_16 : memref<512x64xf32, #tpu.memory_space<hbm>>) target_semaphore(%run_scoped3A : memref<!tpu.dma_semaphore, #tpu.memory_space<semaphore_mem>>)
      %dma_wait3A = arith.constant 0 : i32
      %dma_wait3A_17 = tpu.memref_slice %arg4[%mul3A_2, %dma_wait3A] : memref<16384x64xf32, #tpu.memory_space<hbm>> -> memref<512x64xf32, #tpu.memory_space<hbm>>
      %dma_wait3A_18 = arith.constant 0 : i32
      %dma_wait3A_19 = tpu.memref_slice %arg4[%mul3A_2, %dma_wait3A_18] : memref<16384x64xf32, #tpu.memory_space<hbm>> -> memref<512x64xf32, #tpu.memory_space<hbm>>
      tpu.wait_dma2 semaphore(%run_scoped3A : memref<!tpu.dma_semaphore, #tpu.memory_space<semaphore_mem>>) src(%arg6 : memref<512x64xf32, #tpu.memory_space<vmem>>) dst(%dma_wait3A_19 : memref<512x64xf32, #tpu.memory_space<hbm>>)
      tpu.yield
    }) : () -> ()
    return
  }
}

</mosaic_0001>

<sc_bundles>
// kernel: kernel.3.cloned.1.call-start
scs
__scs_entry_jumppad:
0x0: {  	(pc) =	sbr.rel $0x88, $3  }
0x1: {  	(tag) =	ssettag $0x0;
	lr =	simm.s32 $0x1  }
0x2: {  	[smem:$0x3F9F] =	sst lr;
	_ =	strace $0xD0000000  }
0x3: {  	_ = 	snop  }
0x4: {  	_ = 	snop  }
0x5: {  	_ = 	snop  }
0x6: {  	_ = 	snop  }
0x7: {  	_ = 	snop  }
__scs_overlays_trampoline_lowered:
0x8: {  	[smem:$0x3FAE] =	sst s0  }
0x9: {  	[smem:$0x3FAF] =	sst s1  }
0xa: {  	[smem:$0x3FB0] =	sst s2  }
0xb: {  	[smem:$0x3FB1] =	sst s3  }
0xc: {  	[smem:$0x3FB2] =	sst s4  }
0xd: {  	[smem:$0x3FB3] =	sst s5  }
0xe: {  	[smem:$0x3FB4] =	sst s6  }
0xf: {  	[smem:$0x3FB5] =	sst s7  }
0x10: {  	[smem:$0x3FB6] =	sst s8  }
0x11: {  	[smem:$0x3FB7] =	sst s9;
	s0 =	simm.s32 @!p0 $0x0  }
0x12: {  	s1 =	sld [smem:$0x3F9D];
	s0 =	simm.s32 @p0 $0x1  }
0x13: {  	[smem:$0x3FB8] =	sst s0;
	s0 =	simm.s32 @!p1 $0x0  }
0x14: {  	s2 =	sld [smem:$0x3F9C];
	s0 =	simm.s32 @p1 $0x1  }
0x15: {  	[smem:$0x3FB9] =	sst s0;
	s0 =	simm.s32 @!p2 $0x0  }
0x16: {  	s3 =	sld [smem:$0x3FDB];
	s0 =	simm.s32 @p2 $0x1  }
0x17: {  	s4 =	simm.s32 $0x1BF5;
	[smem:$0x3FBB] =	sst s0  }
0x18: {  	s0 =	sld [smem:$0x3F9E];
	_ =	swait.ge [sflag:s4], $0x0  }
0x19: {  	s7 =	sld [smem:$0x3F9F]  }
0x1a: {  	s8 =	sadd.s32 $0xFFFFE003, lr  }
0x1b: {  	s9 =	sadd.s32 $0xFFFFFEF7, lr;
	s5 =	simm.s32 $0xFFFFFFFF;
	p2 =	slt.u32 s8, $0xFFFFF086  }
0x1c: {  	p1 =	slt.u32 s9, $0xF7A;
	s5 =	simm.s32 @!p2 $0x0  }
0x1d: {  	s5 =	simm.s32 @p1 $0x1;
	p0 =	seq.s32 s7, s2  }
0x1e: {  	s7 =	smul.u32 @!p0 $0xF7A, s2;
	p2 =	seq.s32 @!p0 s5, $0x0  }
0x1f: {  	s9 =	smul.u32 $0xF7A, s1;
	s8 =	simm.s32 @!p0 $0x1BF5;
	p2 =	por !p2, p0  }
0x20: {  	[sflag:s8] =	ssyncset.s32 @!p0 $0xFFFFF086;
	s6 =	sadd.s32 @!p0 s3, s7;
	s7 =	simm.s32 @!p0 $0x108  }
0x21: {  	s3 =	sadd.s32 s3, s9;
	s6 =	sadd.s32 @!p0 $0x88, s6;
	s7 =	simm.s32 @p2 $0x1082  }
0x22: {  	[simem:s7], [sflag:s8] =	dma.local @!p0 [hbm:s6], $0xF7A  }
0x23: {  	s9 =	sor.u32 $0xD0000000, s2;
	s6 =	simm.s32 $0x108;
	_ =	swait.ge @!p0 [sflag:s8], $0x0  }
0x24: {  	s3 =	sadd.s32 $0x88, s3;
	s6 =	simm.s32 @!p1 $0x1082;
	[sflag:s4] =	ssyncset.s32 $0xFFFFF086  }
0x25: {  	[simem:s6], [sflag:s4] =	dma.local [hbm:s3], $0xF7A  }
0x26: {  	[smem:$0x3F9F] =	sst s1;
	(tag) =	ssettag s2;
	_ =	strace s9  }
0x27: {  	s1 =	sld [smem:$0x3FAF]  }
0x28: {  	s2 =	sld [smem:$0x3FB0]  }
0x29: {  	s4 =	sld [smem:$0x3FB2]  }
0x2a: {  	p0 =	seq.s32 s5, $0x0;
	s5 =	sld [smem:$0x3FB3]  }
0x2b: {  	s6 =	sld [smem:$0x3FB4]  }
0x2c: {  	s7 =	sld [smem:$0x3FB5]  }
0x2d: {  	s3 =	simm.s32 $0x108;
	s8 =	sld [smem:$0x3FB6]  }
0x2e: {  	s3 =	simm.s32 @!p0 $0x1082;
	s9 =	sld [smem:$0x3FB7]  }
0x2f: {  	lr =	sadd.s32 s0, s3;
	s0 =	sld [smem:$0x3FAE]  }
0x30: {  	s3 =	sld [smem:$0x3FB1]  }
0x31: {  	[smem:$0x3FBA] =	sst s10  }
0x32: {  	s10 =	sld [smem:$0x3FB8];
	_ =	sdelay $0x3  }
0x33: {  	p0 =	seq.s32 s10, $0x1;
	s10 =	sld [smem:$0x3FBA];
	_ =	sdelay $0x3  }
0x34: {  	[smem:$0x3FBA] =	sst s10  }
0x35: {  	s10 =	sld [smem:$0x3FB9];
	_ =	sdelay $0x3  }
0x36: {  	p1 =	seq.s32 s10, $0x1;
	s10 =	sld [smem:$0x3FBA];
	_ =	sdelay $0x3  }
0x37: {  	[smem:$0x3FBA] =	sst s10  }
0x38: {  	s10 =	sld [smem:$0x3FBB]  }
0x39: {  	_ = 	snop;
	(pc) =	sbr.ind lr, $3  }
0x3a: {  	_ = 	snop  }
0x3b: {  	_ = 	snop  }
0x3c: {  	p2 =	seq.s32 s10, $0x1;
	s10 =	sld [smem:$0x3FBA]  }
0x3d: {  	_ =	shalt  }
0x3e: {  	_ =	shalt  }
0x3f: {  	_ =	shalt  }
0x40: {  	_ =	shalt  }
0x41: {  	_ =	shalt  }
0x42: {  	_ =	shalt  }
0x43: {  	_ =	shalt  }
0x44: {  	_ =	shalt  }
0x45: {  	_ =	shalt  }
0x46: {  	_ =	shalt  }
0x47: {  	_ =	shalt  }
0x48: {  	_ =	shalt  }
0x49: {  	_ =	shalt  }
0x4a: {  	_ =	shalt  }
0x4b: {  	_ =	shalt  }
0x4c: {  	_ =	shalt  }
0x4d: {  	_ =	shalt  }
0x4e: {  	_ =	shalt  }
0x4f: {  	_ =	shalt  }
0x50: {  	_ =	shalt  }
0x51: {  	_ =	shalt  }
0x52: {  	_ =	shalt  }
0x53: {  	_ =	shalt  }
0x54: {  	_ =	shalt  }
0x55: {  	_ =	shalt  }
0x56: {  	_ =	shalt  }
0x57: {  	_ =	shalt  }
0x58: {  	_ =	shalt  }
0x59: {  	_ =	shalt  }
0x5a: {  	_ =	shalt  }
0x5b: {  	_ =	shalt  }
0x5c: {  	_ =	shalt  }
0x5d: {  	_ =	shalt  }
0x5e: {  	_ =	shalt  }
0x5f: {  	_ =	shalt  }
0x60: {  	_ =	shalt  }
0x61: {  	_ =	shalt  }
0x62: {  	_ =	shalt  }
0x63: {  	_ =	shalt  }
0x64: {  	_ =	shalt  }
0x65: {  	_ =	shalt  }
0x66: {  	_ =	shalt  }
0x67: {  	_ =	shalt  }
0x68: {  	_ =	shalt  }
0x69: {  	_ =	shalt  }
0x6a: {  	_ =	shalt  }
0x6b: {  	_ =	shalt  }
0x6c: {  	_ =	shalt  }
0x6d: {  	_ =	shalt  }
0x6e: {  	_ =	shalt  }
0x6f: {  	_ =	shalt  }
0x70: {  	_ =	shalt  }
0x71: {  	_ =	shalt  }
0x72: {  	_ =	shalt  }
0x73: {  	_ =	shalt  }
0x74: {  	_ =	shalt  }
0x75: {  	_ =	shalt  }
0x76: {  	_ =	shalt  }
0x77: {  	_ =	shalt  }
0x78: {  	_ =	shalt  }
0x79: {  	_ =	shalt  }
0x7a: {  	_ =	shalt  }
0x7b: {  	_ =	shalt  }
0x7c: {  	_ =	shalt  }
0x7d: {  	_ =	shalt  }
0x7e: {  	_ =	shalt  }
0x7f: {  	_ =	shalt  }
0x80: {  	_ =	shalt  }
0x81: {  	_ =	shalt  }
0x82: {  	_ =	shalt  }
0x83: {  	_ =	shalt  }
0x84: {  	_ =	shalt  }
0x85: {  	_ =	shalt  }
0x86: {  	_ =	shalt  }
0x87: {  	_ =	shalt  }
.Lfunc_end0:
.L_simem_size_0:
called_computation_lowered:
.L_overlay_start_0:
0x88: {  	s2 =	sld [smem:$0x3FD9]  }
0x89: {  	s3 =	sld [smem:$0x3FFE];
	_ =	sdelay $0x1  }
0x8a: {  	s1 =	srdreg.scid  }
0x8b: {  	s0 =	sand.u32 $0x1, s1  }
0x8c: {  	s17 =	sshll.u32 s0, $0xA;
	s2 =	sadd.s32 s3, s2  }
0x8d: {  	s2 =	sadd.s32 s2, s17  }
0x8e: {  	[smem:$0x3FC6] =	sst s2  }
0x8f: {  	_ = 	snop  }
0x90: {  	s2 =	sld [smem:$0x3FC9];
	(tm) =	ssettm $0x1  }
0x91: {  	s18 =	sld [smem:$0x3FFB];
	_ =	sdelay $0x3  }
0x92: {  	_ =	strace s18  }
0x93: {  	s3 =	sld [smem:$0x3FFC];
	_ =	sdelay $0x3  }
0x94: {  	_ =	strace s3  }
0x95: {  	s3 =	sld [smem:$0x3FFD];
	_ =	sdelay $0x3  }
0x96: {  	_ =	strace s3  }
0x97: {  	_ =	strace $0x8FFFFFFF  }
0x98: {  	s19 =	sld [smem:$0x3FDB];
	_ =	sdelay $0x1  }
0x99: {  	s4 =	simm.s32 $_scs_section_size  }
0x9a: {  	s5 =	simm.s32 $_size__tile_overlayer_lowered;
	s6 =	simm.s32 $_tile_overlayer_lowered  }
0x9b: {  	s22 =	simm.s32 $0x1BFF;
	s21 =	sshll.u32 s6, $0x1;
	s3 =	sadd.s32 s4, s19  }
0x9c: {  	s7 =	simm.s32 $0x0;
	s20 =	sshll.u32 s5, $0x1;
	s5 =	sadd.s32 s21, s3  }
0x9d: {  	[timem:s7], [sflag:s22] =	dma.local [hbm:s5], s20  }
0x9e: {  	_ =	swait.ge [sflag:s22], s20  }
0x9f: {  	s4 =	ssub.s32 $0x0, s20;
	[sflag:s22] =	ssyncset.done $0x0  }
0xa0: {  	[sflag:s22] =	ssyncadd.s32 s4;
	_ =	sdelay $0x1  }
0xa1: {  	s23 =	simm.s32 $0x1B8B  }
0xa2: {  	_ =	swait.ge [sflag:s23], $0x1  }
0xa3: {  	[sflag:s23] =	ssyncset.done $0x0  }
0xa4: {  	s25 =	simm.s32 $0x1B8E;
	s24 =	sld [smem:$0x3FFE];
	[sflag:s23] =	ssyncadd.s32 $0xFFFFFFFF  }
0xa5: {  	s26 =	simm.s32 $execute0_lowered;
	[smem:$0x3FD2] =	sst s25  }
0xa6: {  	s5 =	sshll.u32 s26, $0x1;
	_ =	strace $0x80000046;
	[dreg:$0x1] =	wrdreg $0xFFFFFFFF  }
0xa7: {  	s28 =	simm.s32 $_size_execute0_lowered;
	s3 =	sadd.s32 s3, s5;
	[dreg:$0x0] =	wrdreg $0x0  }
0xa8: {  	s5 =	sshll.u32 s28, $0x1;
	[dreg:$0x2] =	wrdreg s3  }
0xa9: {  	[dreg:$0x3] =	wrdreg s5  }
0xaa: {  	[dreg:$0x4] =	wrdreg $0xC0  }
0xab: {  	_ =	task [dreg:s7], $0x5FFFF  }
0xac: {  	[dreg:$0x1] =	wrdreg $0xFFFFFFFF  }
0xad: {  	[dreg:$0x0] =	wrdreg $0x60  }
0xae: {  	[dreg:$0x2] =	wrdreg s2  }
0xaf: {  	[dreg:$0x3] =	wrdreg s24  }
0xb0: {  	[dreg:$0x4] =	wrdreg $0x9  }
0xb1: {  	_ =	task.clear_ibuf [dreg:s7], $0x5FFFF;
	_ =	strace $0x90000046  }
0xb2: {  	s29 =	simm.s32 $0x9;
	_ =	strace $0x80000048  }
0xb3: {  	_ =	swait.ge [sflag:s29], $0x1  }
0xb4: {  	[sflag:s29] =	ssyncadd.s32 $0xFFFFFFFF  }
0xb5: {  	_ =	strace $0x90000048  }
0xb6: {  	_ =	sfence  }
0xb7: {  	s30 =	sld [smem:$0x0];
	_ =	sdelay $0x2  }
0xb8: {  	s31 =	sshll.u32 s1, $0xD;
	s1 =	sshrl.u32 s1, $0x2  }
0xb9: {  	s3 =	sand.u32 $0x4000, s31;
	s1 =	sadd.s32 s1, s30  }
0xba: {  	s0 =	sor.u32 s3, s0;
	s1 =	sshll.u32 s1, $0x11  }
0xbb: {  	s0 =	sor.u32 s1, s0  }
0xbc: {  	s0 =	sadd.s32 $0x8F2B, s0  }
0xbd: {  	[sflag:s0] =	ssyncadd.remote.s32 $0x1  }
0xbe: {  	_ =	sfence.sel $0xFFFF  }
0xbf: {  	[dreg:$0x0] =	wrdreg $0xFFFFFFFF;
	(pc) =	sbr.abs _section_cstart, $3  }
0xc0: {  	[dreg:$0x1] =	wrdreg $0xFFFFFFFF  }
0xc1: {  	_ =	task.clear_ibuf [dreg:s7], $0x2FFFF;
	_ =	strace $0x9FFFFFFF  }
0xc2: {  	(tm) =	ssettm $0x7FFFFFFF  }
0xc3: {  	_ =	shalt  }
tec
execute0_lowered:
.L_overlay_start_1:
0x0: {  	(tag) =	ssettag $0x1  }
0x1: {  	s4 =	rddreg [dreg:$0x0]  }
0x2: {  	s5 =	rddreg [dreg:$0x1]  }
0x3: {  	s0 =	rddreg [dreg:$0x2];
	s2 =	simm.s32 $0x0;
	s3 =	srdreg.scid  }
0x4: {  	s1 =	stileid.u32;
	s10 =	simm.s32 $0x0;
	s6 =	sand.u32 $0x1, s3  }
0x5: {  	[smem:$0x7FF] =	sst s2;
	s7 =	sshll.u32 s1, $0xA;
	s8 =	sshll.u32 s6, $0x9  }
0x6: {  	s3 =	sadd.s32 $0x400, s5;
	s6 =	ssub.s32 $0x2, s6;
	s7 =	sor.u32 s8, s7  }
0x7: {  	_ =	strace $0x80000047;
	s9 =	sshrl.u32 s6, $0x1;
	s8 =	sshll.u32 s7, $0x4  }
0x8: {  	s7 =	sshrl.u32 s7, $0x3;
	s6 =	ssub.s32 s6, s9;
	s9 =	simm.s32 $0x200  }
0x9: {  	s5 =	sadd.s32 s8, s5;
	s4 =	sadd.s32 s4, s7;
	s6 =	smax.u32 s6, $0x1  }
0xa: {  	s7 =	simm.s32 $0x2;
	s8 =	simm.s32 $0x1;
	s5 =	sadd.s32 $0xF42800, s5  }
.LBB2_1:
0xb: {  	[tilespmem:s2], [sflag:$0x2] =	stream.linear.gather [hbm4b:s4+s2], $0x200, $0x38;
	[tilespmem:$0x10200] =	vst v63  }
0xc: {  	_ =	swait.ge [sflag:s7], $0x200  }
0xd: {  	[sflag:s7] =	ssyncset.done $0x0  }
0xe: {  	s11 =	simm.s32 $0x0;
	s12 =	simm.s32 $0x0;
	[sflag:s7] =	ssyncadd.s32 $0xFFFFFE00  }
.LBB2_2:
0xf: {  	v0 =	vld [tilespmem:s11+$0x0];
	_ =	sdelay $0x4  }
0x10: {  	v1 =	vshrl.u32 v0, $0x3  }
0x11: {  	v0 =	vand.u32 $0x7, v0;
	v1 =	vshll.u32 v1, $0xA  }
0x12: {  	v0 =	vshll.u32 v0, $0x7;
	(v2sf) =	vpush v1, $0x0  }
0x13: {  	(v2sf) =	vpush v0, $0x0;
	_ =	sdelay $0x2  }
0x14: {  	(v2sf) =	vpush v1, $0x1  }
0x15: {  	(v2sf) =	vpush v0, $0x1;
	_ =	sdelay $0x1  }
0x16: {  	(v2sf) =	vpush v1, $0x2;
	_ =	sdelay $0x1  }
0x17: {  	(v2sf) =	vpush v0, $0x2;
	_ =	sdelay $0x5  }
0x18: {  	s13 =	spop (v2sf);
	(v2sf) =	vpush v1, $0x3  }
0x19: {  	s14 =	spop (v2sf);
	(v2sf) =	vpush v0, $0x3;
	_ =	sdelay $0x2  }
0x1a: {  	s17 =	spop (v2sf);
	(v2sf) =	vpush v1, $0x4  }
0x1b: {  	s18 =	spop (v2sf);
	(v2sf) =	vpush v0, $0x4;
	_ =	sdelay $0x1  }
0x1c: {  	s20 =	spop (v2sf);
	(v2sf) =	vpush v1, $0x5;
	_ =	sdelay $0x1  }
0x1d: {  	s21 =	spop (v2sf);
	(v2sf) =	vpush v0, $0x5;
	_ =	sdelay $0x1  }
0x1e: {  	s14 =	sor.u32 s14, s13  }
0x1f: {  	s13 =	sshra.s32 s12, $0x2;
	s14 =	sshrl.u32 s14, $0x3  }
0x20: {  	s15 =	sadd.s32 $0x200, s13;
	s14 =	sadd.s32 s3, s14  }
0x21: {  	[tilespmem:s15], [sflag:$0x1] =	stream.linear.gather [hbm4b:s14+s2], $0x80, $0x38;
	[tilespmem:$0x10200] =	vst v63  }
0x22: {  	s14 =	sor.u32 s18, s17;
	s23 =	spop (v2sf);
	(v2sf) =	vpush v1, $0x6  }
0x23: {  	s14 =	sshrl.u32 s14, $0x3;
	s24 =	spop (v2sf);
	(v2sf) =	vpush v0, $0x6  }
0x24: {  	s19 =	sadd.s32 $0x280, s13;
	s14 =	sadd.s32 s3, s14  }
0x25: {  	[tilespmem:s19], [sflag:$0x1] =	stream.linear.gather [hbm4b:s14+s2], $0x80, $0x38;
	[tilespmem:$0x10200] =	vst v63  }
0x26: {  	s26 =	spop (v2sf);
	(v2sf) =	vpush v1, $0x7  }
0x27: {  	s14 =	sor.u32 s21, s20;
	s28 =	spop (v2sf);
	(v2sf) =	vpush v0, $0x7  }
0x28: {  	s14 =	sshrl.u32 s14, $0x3  }
0x29: {  	s22 =	sadd.s32 $0x300, s13;
	s14 =	sadd.s32 s3, s14;
	s30 =	spop (v2sf);
	(v2sf) =	vpush v1, $0x8  }
0x2a: {  	[tilespmem:s22], [sflag:$0x1] =	stream.linear.gather [hbm4b:s14+s2], $0x80, $0x38;
	[tilespmem:$0x10200] =	vst v63  }
0x2b: {  	s31 =	spop (v2sf);
	(v2sf) =	vpush v0, $0x8  }
0x2c: {  	s14 =	sor.u32 s24, s23  }
0x2d: {  	s14 =	sshrl.u32 s14, $0x3  }
0x2e: {  	s25 =	sadd.s32 $0x380, s13;
	s14 =	sadd.s32 s3, s14  }
0x2f: {  	[tilespmem:s25], [sflag:$0x1] =	stream.linear.gather [hbm4b:s14+s2], $0x80, $0x38;
	[tilespmem:$0x10200] =	vst v63  }
0x30: {  	s14 =	sor.u32 s28, s26  }
0x31: {  	s14 =	sshrl.u32 s14, $0x3;
	s17 =	spop (v2sf);
	(v2sf) =	vpush v1, $0x9  }
0x32: {  	s29 =	sadd.s32 $0x400, s13;
	s14 =	sadd.s32 s3, s14;
	s18 =	spop (v2sf);
	(v2sf) =	vpush v0, $0x9  }
0x33: {  	[tilespmem:s29], [sflag:$0x1] =	stream.linear.gather [hbm4b:s14+s2], $0x80, $0x38;
	[tilespmem:$0x10200] =	vst v63  }
0x34: {  	s14 =	sor.u32 s31, s30  }
0x35: {  	s14 =	sshrl.u32 s14, $0x3;
	s20 =	spop (v2sf);
	(v2sf) =	vpush v1, $0xA  }
0x36: {  	s16 =	sadd.s32 $0x480, s13;
	s14 =	sadd.s32 s3, s14;
	s21 =	spop (v2sf);
	(v2sf) =	vpush v0, $0xA  }
0x37: {  	[tilespmem:s16], [sflag:$0x1] =	stream.linear.gather [hbm4b:s14+s2], $0x80, $0x38;
	[tilespmem:$0x10200] =	vst v63  }
0x38: {  	s14 =	sor.u32 s18, s17;
	s23 =	spop (v2sf);
	(v2sf) =	vpush v1, $0xB  }
0x39: {  	s14 =	sshrl.u32 s14, $0x3  }
0x3a: {  	s19 =	sadd.s32 $0x500, s13;
	s14 =	sadd.s32 s3, s14;
	s24 =	spop (v2sf);
	(v2sf) =	vpush v0, $0xB  }
0x3b: {  	[tilespmem:s19], [sflag:$0x1] =	stream.linear.gather [hbm4b:s14+s2], $0x80, $0x38;
	[tilespmem:$0x10200] =	vst v63  }
0x3c: {  	s14 =	sor.u32 s21, s20  }
0x3d: {  	s14 =	sshrl.u32 s14, $0x3  }
0x3e: {  	s22 =	sadd.s32 $0x580, s13;
	s14 =	sadd.s32 s3, s14  }
0x3f: {  	[tilespmem:s22], [sflag:$0x1] =	stream.linear.gather [hbm4b:s14+s2], $0x80, $0x38;
	[tilespmem:$0x10200] =	vst v63  }
0x40: {  	s14 =	sor.u32 s24, s23;
	s26 =	spop (v2sf);
	(v2sf) =	vpush v1, $0xC  }
0x41: {  	s14 =	sshrl.u32 s14, $0x3;
	s28 =	spop (v2sf);
	(v2sf) =	vpush v0, $0xC  }
0x42: {  	s25 =	sadd.s32 $0x600, s13;
	s14 =	sadd.s32 s3, s14  }
0x43: {  	[tilespmem:s25], [sflag:$0x1] =	stream.linear.gather [hbm4b:s14+s2], $0x80, $0x38;
	[tilespmem:$0x10200] =	vst v63  }
0x44: {  	s30 =	spop (v2sf);
	(v2sf) =	vpush v1, $0xD  }
0x45: {  	s14 =	sor.u32 s28, s26;
	s31 =	spop (v2sf);
	(v2sf) =	vpush v0, $0xD  }
0x46: {  	s14 =	sshrl.u32 s14, $0x3  }
0x47: {  	s29 =	sadd.s32 $0x680, s13;
	s14 =	sadd.s32 s3, s14;
	s17 =	spop (v2sf)  }
0x48: {  	(v2sf) =	vpush v1, $0xE;
	[tilespmem:s29], [sflag:$0x1] =	stream.linear.gather [hbm4b:s14+s2], $0x80, $0x38;
	[tilespmem:$0x10200] =	vst v63  }
0x49: {  	s18 =	spop (v2sf);
	(v2sf) =	vpush v0, $0xE  }
0x4a: {  	s14 =	sor.u32 s31, s30  }
0x4b: {  	s14 =	sshrl.u32 s14, $0x3  }
0x4c: {  	s16 =	sadd.s32 $0x700, s13;
	s14 =	sadd.s32 s3, s14  }
0x4d: {  	[tilespmem:s16], [sflag:$0x1] =	stream.linear.gather [hbm4b:s14+s2], $0x80, $0x38;
	[tilespmem:$0x10200] =	vst v63  }
0x4e: {  	s14 =	sor.u32 s18, s17  }
0x4f: {  	s14 =	sshrl.u32 s14, $0x3;
	s20 =	spop (v2sf);
	(v2sf) =	vpush v1, $0xF  }
0x50: {  	s19 =	sadd.s32 $0x780, s13;
	s14 =	sadd.s32 s3, s14;
	s21 =	spop (v2sf);
	(v2sf) =	vpush v0, $0xF  }
0x51: {  	[tilespmem:s19], [sflag:$0x1] =	stream.linear.gather [hbm4b:s14+s2], $0x80, $0x38;
	[tilespmem:$0x10200] =	vst v63  }
0x52: {  	s14 =	sor.u32 s21, s20  }
0x53: {  	s23 =	spop (v2sf);
	s14 =	sshrl.u32 s14, $0x3  }
0x54: {  	s22 =	sadd.s32 $0x800, s13;
	s24 =	spop (v2sf);
	s14 =	sadd.s32 s3, s14  }
0x55: {  	[tilespmem:s22], [sflag:$0x1] =	stream.linear.gather [hbm4b:s14+s2], $0x80, $0x38;
	[tilespmem:$0x10200] =	vst v63  }
0x56: {  	s14 =	sor.u32 s24, s23  }
0x57: {  	s26 =	spop (v2sf);
	s14 =	sshrl.u32 s14, $0x3  }
0x58: {  	s25 =	sadd.s32 $0x880, s13;
	s28 =	spop (v2sf);
	s14 =	sadd.s32 s3, s14  }
0x59: {  	[tilespmem:s25], [sflag:$0x1] =	stream.linear.gather [hbm4b:s14+s2], $0x80, $0x38;
	[tilespmem:$0x10200] =	vst v63  }
0x5a: {  	s14 =	sor.u32 s28, s26  }
0x5b: {  	s14 =	sshrl.u32 s14, $0x3  }
0x5c: {  	s29 =	sadd.s32 $0x900, s13;
	s14 =	sadd.s32 s3, s14  }
0x5d: {  	[tilespmem:s29], [sflag:$0x1] =	stream.linear.gather [hbm4b:s14+s2], $0x80, $0x38;
	[tilespmem:$0x10200] =	vst v63  }
0x5e: {  	p0 =	sne.s32 s12, $0x3E000;
	s30 =	spop (v2sf)  }
.Ltmp0:
0x5f: {  	s31 =	spop (v2sf);
	(pc) =	sbr.rel @p0 .LBB2_2-.Ltmp0, $4  }
0x60: {  	s14 =	sor.u32 s31, s30  }
0x61: {  	s11 =	sadd.s32 $0x10, s11;
	s14 =	sshrl.u32 s14, $0x3  }
0x62: {  	s12 =	sadd.s32 $0x2000, s12;
	s13 =	sadd.s32 $0x980, s13;
	s14 =	sadd.s32 s3, s14  }
0x63: {  	[tilespmem:s13], [sflag:$0x1] =	stream.linear.gather [hbm4b:s14+s2], $0x80, $0x38;
	[tilespmem:$0x10200] =	vst v63  }
0x64: {  	_ =	swait.ge [sflag:s8], $0x80  }
0x65: {  	s11 =	simm.s32 $0x1FF;
	[sflag:s8] =	ssyncset.done $0x0  }
.LBB2_4:
0x66: {  	p0 =	sne.s32 s11, $0x1;
	s11 =	sadd.s32 $0xFFFFFFFF, s11;
	[sflag:s8] =	ssyncadd.s32 $0xFFFFFF80  }
.Ltmp1:
0x67: {  	(pc) =	sbr.rel @p0 .LBB2_4-.Ltmp1, $3  }
0x68: {  	_ =	sdelay $0x1  }
0x69: {  	_ =	swait.ge [sflag:s8], $0x80  }
0x6a: {  	[sflag:s8] =	ssyncset.done $0x0  }
0x6b: {  	s10 =	sadd.s32 $0x1, s10  }
0x6c: {  	p0 =	sne.s32 s10, s6  }
.Ltmp2:
0x6d: {  	[sflag:s8] =	ssyncadd.s32 $0xFFFFFF80;
	(pc) =	sbr.rel @p0 .LBB2_1-.Ltmp2, $4  }
0x6e: {  	[hbm4b:s5+s2] =	stream.linear.scatter [tilespmem:s9], [sflag:$0x2], $0x10000, $0x38;
	[tilespmem:$0x10200] =	vst v63  }
0x6f: {  	_ =	swait.ge [sflag:s7], $0x10000  }
0x70: {  	[sflag:s7] =	ssyncset.done $0x0  }
0x71: {  	[sflag:s7] =	ssyncadd.s32 $0xFFFF0000  }
0x72: {  	_ =	sfence.sel $0x180000  }
0x73: {  	[bflag:$0x0] =	sbarrier.arrive $0xFFFF  }
0x74: {  	p0 =	sne.s32 s1, $0x0;
	_ =	strace $0x90000047  }
0x75: {  	s0 =	sadd.s32 @!p0 $0x100000, s0;
	[bflag:$0x2] =	sbarrier.arrive $0xFFFF  }
0x76: {  	[sflag:s0] =	ssyncadd.tile.s32 @!p0 $0x1;
	_ =	shalt  }
.Lfunc_end2:
_tile_overlayer_lowered:
.L_overlay_start_2:
0x77: {  	(tag) =	ssettag $0x2  }
0x78: {  	s0 =	rddreg [dreg:$0x0];
	s2 =	stileid.u32  }
0x79: {  	s1 =	rddreg [dreg:$0x1];
	p0 =	sne.s32 s2, $0x0  }
0x7a: {  	s3 =	rddreg [dreg:$0x2];
	[bflag:$0x3] =	sbarrier.arrive $0xFFFF;
	s2 =	simm.s32 @!p0 $0x1C02  }
0x7b: {  	[timem:s3], [sflag:s2] =	dma.local @!p0 [hbm:s0], s1  }
0x7c: {  	s0 =	simm.s32 @!p0 $0x2  }
0x7d: {  	_ =	swait.ge @!p0 [sflag:s0], s1  }
0x7e: {  	s1 =	ssub.s32 @!p0 $0x0, s1;
	[sflag:s0] =	ssyncset.done @!p0 $0x0  }
0x7f: {  	[sflag:s0] =	ssyncadd.s32 @!p0 s1  }
0x80: {  	[bflag:$0x3] =	sbarrier.arrive $0xFFFF  }
0x81: {  	_ =	shalt  }

</sc_bundles>
